<compile_context>
chip_gen: v7x
topology: tpu7x:2x2x1
jax: 0.10.2.dev20260603
libtpu: 0.0.44.dev20260713+nightly
codegen_flags: <defaults>
</compile_context>

<pallas_src>
import jax
import jax.numpy as jnp
from jax import lax
from jax.experimental import pallas as pl
from jax.experimental.pallas import tpu as pltpu
from jax.experimental.pallas import tpu_sc as plsc

B, T, N = 4, 32, 8
NC, HQ, C, K, H = 2, 2, 32, 8192, 512
M = B * T * N
KT = 512
NKT = K // KT
H1 = H + NC * C


_ROWS = HQ * M * NC
_SC_CORES = 2
_SC_SUBCORES = 16
_NW = _SC_CORES * _SC_SUBCORES
_RPW = _ROWS // _NW


def _sc_gather_body(table_ref, idx_ref, out_ref, idx_v, rows_v, sem):
    wid = lax.axis_index("s") * _SC_CORES + lax.axis_index("c")
    base = wid * _RPW
    pltpu.sync_copy(idx_ref.at[pl.ds(base, _RPW)], idx_v)
    pltpu.async_copy(table_ref.at[idx_v], rows_v, sem).wait()
    pltpu.sync_copy(rows_v, out_ref.at[pl.ds(base, _RPW)])


def _sc_gather(table, idx_flat):
    mesh = plsc.VectorSubcoreMesh(core_axis_name="c", subcore_axis_name="s")
    fn = pl.kernel(
        _sc_gather_body,
        mesh=mesh,
        out_type=jax.ShapeDtypeStruct((_ROWS, C), jnp.float32),
        scratch_types=[
            pltpu.VMEM((_RPW,), jnp.int32),
            pltpu.VMEM((_RPW, C), jnp.float32),
            pltpu.SemaphoreType.DMA,
        ],
        compiler_params=pltpu.CompilerParams(use_tc_tiling_on_sc=False),
    )
    return fn(table, idx_flat)




def _stream_update(lt, nc, kt, idx_ref, m_ref, z_ref, s_ref, iv_ref):
    mt = jnp.max(lt, axis=1, keepdims=True)

    @pl.when(kt == 0)
    def _():
        m_ref[...] = jnp.broadcast_to(mt, m_ref.shape)
        z_ref[...] = jnp.zeros_like(z_ref)
        s_ref[...] = jnp.zeros_like(s_ref)
        iv_ref[...] = jnp.zeros_like(iv_ref)

    idx = idx_ref[0]
    col = lax.broadcasted_iota(jnp.int32, (M, KT), 1) + kt * KT
    sel = jnp.sum(jnp.where(col == idx, lt, 0.0), axis=1, keepdims=True)

    m_prev = m_ref[:, :1]
    new_m = jnp.maximum(m_prev, mt)
    alpha = jnp.exp(m_prev - new_m)
    p = jnp.exp(lt - new_m)
    z_new = z_ref[:, :1] * alpha + jnp.sum(p, axis=1, keepdims=True)
    s_new = s_ref[:, :1] * alpha + jnp.sum(p * lt, axis=1, keepdims=True)
    iv_new = iv_ref[:, :1] + sel
    m_ref[...] = jnp.broadcast_to(new_m, m_ref.shape)
    z_ref[...] = jnp.broadcast_to(z_new, z_ref.shape)
    s_ref[...] = jnp.broadcast_to(s_new, s_ref.shape)
    iv_ref[...] = jnp.broadcast_to(iv_new, iv_ref.shape)
    return new_m, z_new, s_new, iv_new


def _lvl0_body(x_ref, w_ref, idx_ref, lp_ref, ent_ref,
               m_ref, z_ref, s_ref, iv_ref):
    nc = pl.program_id(0)
    kt = pl.program_id(1)
    lt = lax.dot_general(x_ref[...], w_ref[...], (((1,), (1,)), ((), ())),
                         preferred_element_type=jnp.float32)
    new_m, z_new, s_new, iv_new = _stream_update(
        lt, nc, kt, idx_ref, m_ref, z_ref, s_ref, iv_ref)

    @pl.when(kt == NKT - 1)
    def _():
        logz = new_m + jnp.log(z_new)
        lp_c = iv_new - logz
        ent_c = logz - s_new / z_new

        @pl.when(nc == 0)
        def _():
            lp_ref[...] = lp_c
            ent_ref[...] = ent_c

        @pl.when(nc != 0)
        def _():
            lp_ref[...] = lp_ref[...] + lp_c
            ent_ref[...] = ent_ref[...] + ent_c


def _lvl1_body(x_ref, h0_ref, h1_ref, w_ref, idx_ref, lp0_ref, ent0_ref,
               comm_ref, lp_ref, ent_ref, m_ref, z_ref, s_ref, iv_ref):
    nc = pl.program_id(0)
    kt = pl.program_id(1)

    @pl.when((nc == 0) & (kt == 0))
    def _():
        comm_ref[...] = h0_ref[...] + h1_ref[...]

    lt = (lax.dot_general(x_ref[...], w_ref[:, :H],
                          (((1,), (1,)), ((), ())),
                          preferred_element_type=jnp.float32)
          + lax.dot_general(h0_ref[...], w_ref[:, H:],
                            (((1,), (1,)), ((), ())),
                            preferred_element_type=jnp.float32))
    new_m, z_new, s_new, iv_new = _stream_update(
        lt, nc, kt, idx_ref, m_ref, z_ref, s_ref, iv_ref)

    @pl.when(kt == NKT - 1)
    def _():
        logz = new_m + jnp.log(z_new)
        lp_c = iv_new - logz
        ent_c = logz - s_new / z_new

        @pl.when(nc == 0)
        def _():
            lp_ref[...] = lp0_ref[...] + lp_c
            ent_ref[...] = ent0_ref[...] + ent_c

        @pl.when(nc != 0)
        def _():
            lp_ref[...] = lp_ref[...] + lp_c
            ent_ref[...] = ent_ref[...] + ent_c


_SCRATCH = [pltpu.VMEM((M, 128), jnp.float32)] * 4
_STAT_SPEC = pl.BlockSpec((M, 1), lambda nc, kt: (0, 0))
_IDX_SPEC = pl.BlockSpec((1, M, 1), lambda nc, kt: (nc, 0, 0))


def _level0_call(x2d, w0, idx0):
    return pl.pallas_call(
        _lvl0_body,
        grid=(NC, NKT),
        in_specs=[
            pl.BlockSpec((M, H), lambda nc, kt: (0, 0)),
            pl.BlockSpec((KT, H), lambda nc, kt: (nc * NKT + kt, 0)),
            _IDX_SPEC,
        ],
        out_specs=[_STAT_SPEC, _STAT_SPEC],
        out_shape=[jax.ShapeDtypeStruct((M, 1), jnp.float32)] * 2,
        scratch_shapes=_SCRATCH,
    )(x2d, w0, idx0)


def _level1_call(x2d, h0, h1, w1, idx1, lp0, ent0):
    return pl.pallas_call(
        _lvl1_body,
        grid=(NC, NKT),
        in_specs=[
            pl.BlockSpec((M, H), lambda nc, kt: (0, 0)),
            pl.BlockSpec((M, NC * C), lambda nc, kt: (0, 0)),
            pl.BlockSpec((M, NC * C), lambda nc, kt: (0, 0)),
            pl.BlockSpec((KT, H1), lambda nc, kt: (nc * NKT + kt, 0)),
            _IDX_SPEC,
            _STAT_SPEC,
            _STAT_SPEC,
        ],
        out_specs=[
            pl.BlockSpec((M, NC * C), lambda nc, kt: (0, 0)),
            _STAT_SPEC,
            _STAT_SPEC,
        ],
        out_shape=[
            jax.ShapeDtypeStruct((M, NC * C), jnp.float32),
            jax.ShapeDtypeStruct((M, 1), jnp.float32),
            jax.ShapeDtypeStruct((M, 1), jnp.float32),
        ],
        scratch_shapes=_SCRATCH,
    )(x2d, h0, h1, w1, idx1, lp0, ent0)


def kernel(x, comms, codebook, W0, b0, W1, b1):
    x2d = x.reshape(M, H)
    cm = comms.reshape(M, NC, HQ).astype(jnp.int32)
    idx_l = jnp.transpose(cm, (2, 0, 1))

    table = codebook.reshape(HQ * K, C)
    offs = (jnp.arange(HQ, dtype=jnp.int32) * K)[:, None, None]
    idx_flat = (idx_l + offs).reshape(_ROWS)
    rows = _sc_gather(table, idx_flat)
    hard = rows.reshape(HQ, M, NC * C)
    h0, h1 = hard[0], hard[1]

    idx_tc = jnp.transpose(idx_l, (0, 2, 1))[..., None]
    lp0, ent0 = _level0_call(x2d, W0, idx_tc[0])
    comm, lp, ent = _level1_call(x2d, h0, h1, W1, idx_tc[1], lp0, ent0)
    return comm, lp.reshape(B, T, N), ent.reshape(B, T, N)

# --- scband reference (transcript-rebuilt; emitter-appended) ---
"""Pipeline reference for scband-aim-comms-14388140442089 (READ-ONLY COPY).

The authoritative reference and input builder live on the scoring server;
editing this copy changes nothing except your own understanding.
"""

import jax, jax.numpy as jnp
import numpy as np

B, T, N = 4, 32, 8
NC, HQ, C, K, H = 2, 2, 32, 8192, 512


def setup_inputs(seed: int = 0) -> dict:
    key = jax.random.key(seed)
    ks = jax.random.split(key, 8)
    x = jax.random.normal(ks[0], (B, T, N, H), dtype=jnp.float32)
    comms = jax.random.randint(ks[1], (B, T, N, NC, HQ), 0, K)
    codebook = jax.random.normal(ks[2], (HQ, K, C), dtype=jnp.float32) * 0.05
    in0 = H
    in1 = H + NC * C
    W0 = jax.random.normal(ks[3], (NC * K, in0), dtype=jnp.float32) * (1.0 / np.sqrt(in0))
    b0 = jnp.zeros((NC * K,), dtype=jnp.float32)
    W1 = jax.random.normal(ks[4], (NC * K, in1), dtype=jnp.float32) * (1.0 / np.sqrt(in1))
    b1 = jnp.zeros((NC * K,), dtype=jnp.float32)
    return {"x": x, "comms": comms, "codebook": codebook, "W0": W0, "b0": b0, "W1": W1, "b1": b1}


def reference(x, comms, codebook, W0, b0, W1, b1):
    # Faithful translation of AimComms.get_comms_during_update
    heads = [(W0, b0), (W1, b1)]
    comm_conditions = x
    new_comm_log_probs = jnp.zeros((B, T, N), dtype=jnp.float32)
    comm_entropy = jnp.zeros((B, T, N), dtype=jnp.float32)
    hard_levels = []
    soft_levels = []
    for hq_level in range(HQ):
        W, b = heads[hq_level]
        comm_logits = (comm_conditions @ W.T + b).reshape(B, T, N, NC, K)
        logZ = jax.nn.logsumexp(comm_logits, axis=-1, keepdims=True)
        log_probs = comm_logits - logZ
        probs = jnp.exp(log_probs)
        quantised_index = comms[..., hq_level]  # [B,T,N,NC]
        lp = jnp.take_along_axis(log_probs, quantised_index[..., None], axis=-1)[..., 0]
        new_comm_log_probs = new_comm_log_probs + lp.sum(axis=-1)
        comm_entropy = comm_entropy + (-(probs * log_probs).sum(axis=-1)).sum(axis=-1)
        hard = codebook[hq_level][quantised_index]  # gather [B,T,N,NC,C]
        soft = probs @ codebook[hq_level]
        hard_levels.append(hard)
        soft_levels.append(soft)
        comm_conditions = jnp.concatenate([comm_conditions, hard.reshape(B, T, N, NC * C)], axis=-1)
    hard_all = jnp.stack(hard_levels, axis=4)  # [B,T,N,NC,HQ,C]
    soft_all = jnp.stack(soft_levels, axis=4)
    codewords = soft_all + jax.lax.stop_gradient(hard_all - soft_all)  # straight-through
    comm_output = codewords.sum(axis=4).reshape(-1, NC * C)
    return comm_output, new_comm_log_probs, comm_entropy

if __name__ == "__main__":
    import jax
    _d = setup_inputs()
    print(jax.jit(kernel)(*tuple(_d.values())))

</pallas_src>

<mosaic_0001>
#map = affine_map<(d0, d1) -> (0, 0)>
#map1 = affine_map<(d0, d1) -> (0)>
module attributes {stable_mosaic.version = 14 : i64} {
  func.func @_sc_gather_body(%arg0: i32, %arg1: i32, %arg2: memref<16384x32xf32, #tpu.memory_space<hbm>>, %arg3: memref<4096xi32, #tpu.memory_space<hbm>>, %arg4: memref<4096x32xf32, #tpu.memory_space<hbm>>, %arg5: memref<128xi32, #tpu.memory_space<vmem>>, %arg6: memref<128x32xf32, #tpu.memory_space<vmem>>, %arg7: memref<!tpu.dma_semaphore, #tpu.memory_space<semaphore_mem>>) attributes {dimension_semantics = [#tpu.dimension_semantics<core_parallel>, #tpu.dimension_semantics<subcore_parallel>], iteration_bounds = array<i64: 2, 16>, scalar_prefetch = 0 : i64, scratch_operands = 3 : i64, tpu.core_type = #tpu.core_type<sc_vector_subcore>, window_params = [{transform_indices = #map}, {transform_indices = #map1}, {transform_indices = #map}]} {
    %mul3A = arith.constant 2 : i32
    %mul3A_0 = arith.muli %arg1, %mul3A : i32
    %add3A = arith.addi %mul3A_0, %arg0 : i32
    %mul3A_1 = arith.constant 128 : i32
    %mul3A_2 = arith.muli %add3A, %mul3A_1 : i32
    "tpu.region"() ({
      %run_scoped3A = tpu.sem_alloc : memref<!tpu.dma_semaphore, #tpu.memory_space<semaphore_mem>>
      %dma_start3A_7 = tpu.memref_slice %arg3[%mul3A_2] : memref<4096xi32, #tpu.memory_space<hbm>> -> memref<128xi32, #tpu.memory_space<hbm>>
      %dma_start3A_8 = tpu.memref_slice %arg3[%mul3A_2] : memref<4096xi32, #tpu.memory_space<hbm>> -> memref<128xi32, #tpu.memory_space<hbm>>
      tpu.enqueue_dma source(%dma_start3A_8 : memref<128xi32, #tpu.memory_space<hbm>>) target(%arg5 : memref<128xi32, #tpu.memory_space<vmem>>) target_semaphore(%run_scoped3A : memref<!tpu.dma_semaphore, #tpu.memory_space<semaphore_mem>>)
      %dma_wait3A_9 = tpu.memref_slice %arg3[%mul3A_2] : memref<4096xi32, #tpu.memory_space<hbm>> -> memref<128xi32, #tpu.memory_space<hbm>>
      %dma_wait3A_10 = tpu.memref_slice %arg3[%mul3A_2] : memref<4096xi32, #tpu.memory_space<hbm>> -> memref<128xi32, #tpu.memory_space<hbm>>
      tpu.wait_dma2 semaphore(%run_scoped3A : memref<!tpu.dma_semaphore, #tpu.memory_space<semaphore_mem>>) src(%dma_wait3A_10 : memref<128xi32, #tpu.memory_space<hbm>>) dst(%arg5 : memref<128xi32, #tpu.memory_space<vmem>>)
      tpu.yield
    }) : () -> ()
    %dma_start3A = arith.constant 0 : i32
    %dma_start3A_3 = arith.constant 0 : i32
    %dma_start3A_4 = tpu.memref_slice %arg2[%dma_start3A, %dma_start3A_3] : memref<16384x32xf32, #tpu.memory_space<hbm>> -> memref<16384x32xf32, #tpu.memory_space<hbm>>
    tpu.enqueue_indirect_dma source(%dma_start3A_4 : memref<16384x32xf32, #tpu.memory_space<hbm>>) target(%arg6 : memref<128x32xf32, #tpu.memory_space<vmem>>) offsets(%arg5 : memref<128xi32, #tpu.memory_space<vmem>>) semaphore(%arg7 : memref<!tpu.dma_semaphore, #tpu.memory_space<semaphore_mem>>)
    %dma_wait3A = arith.constant 0 : i32
    %dma_wait3A_5 = arith.constant 0 : i32
    %dma_wait3A_6 = tpu.memref_slice %arg2[%dma_wait3A, %dma_wait3A_5] : memref<16384x32xf32, #tpu.memory_space<hbm>> -> memref<16384x32xf32, #tpu.memory_space<hbm>>
    tpu.wait_indirect_dma semaphore(%arg7 : memref<!tpu.dma_semaphore, #tpu.memory_space<semaphore_mem>>) src(%dma_wait3A_6 : memref<16384x32xf32, #tpu.memory_space<hbm>>) dst(%arg6 : memref<128x32xf32, #tpu.memory_space<vmem>>)
    "tpu.region"() ({
      %run_scoped3A = tpu.sem_alloc : memref<!tpu.dma_semaphore, #tpu.memory_space<semaphore_mem>>
      %dma_start3A_7 = arith.constant 0 : i32
      %dma_start3A_8 = tpu.memref_slice %arg4[%mul3A_2, %dma_start3A_7] : memref<4096x32xf32, #tpu.memory_space<hbm>> -> memref<128x32xf32, #tpu.memory_space<hbm>>
      %dma_start3A_9 = arith.constant 0 : i32
      %dma_start3A_10 = tpu.memref_slice %arg4[%mul3A_2, %dma_start3A_9] : memref<4096x32xf32, #tpu.memory_space<hbm>> -> memref<128x32xf32, #tpu.memory_space<hbm>>
      tpu.enqueue_dma source(%arg6 : memref<128x32xf32, #tpu.memory_space<vmem>>) target(%dma_start3A_10 : memref<128x32xf32, #tpu.memory_space<hbm>>) target_semaphore(%run_scoped3A : memref<!tpu.dma_semaphore, #tpu.memory_space<semaphore_mem>>)
      %dma_wait3A_11 = arith.constant 0 : i32
      %dma_wait3A_12 = tpu.memref_slice %arg4[%mul3A_2, %dma_wait3A_11] : memref<4096x32xf32, #tpu.memory_space<hbm>> -> memref<128x32xf32, #tpu.memory_space<hbm>>
      %dma_wait3A_13 = arith.constant 0 : i32
      %dma_wait3A_14 = tpu.memref_slice %arg4[%mul3A_2, %dma_wait3A_13] : memref<4096x32xf32, #tpu.memory_space<hbm>> -> memref<128x32xf32, #tpu.memory_space<hbm>>
      tpu.wait_dma2 semaphore(%run_scoped3A : memref<!tpu.dma_semaphore, #tpu.memory_space<semaphore_mem>>) src(%arg6 : memref<128x32xf32, #tpu.memory_space<vmem>>) dst(%dma_wait3A_14 : memref<128x32xf32, #tpu.memory_space<hbm>>)
      tpu.yield
    }) : () -> ()
    return
  }
}

module attributes {stable_mosaic.version = 14 : i64} {
  func.func @_lvl0_body(%arg0: i32, %arg1: i32, %arg2: memref<1024x512xf32, #tpu.memory_space<vmem>>, %arg3: memref<512x512xf32, #tpu.memory_space<vmem>>, %arg4: memref<1x1024x1xi32, #tpu.memory_space<vmem>>, %arg5: memref<1024x1xf32, #tpu.memory_space<vmem>>, %arg6: memref<1024x1xf32, #tpu.memory_space<vmem>>, %arg7: memref<1024x128xf32, #tpu.memory_space<vmem>>, %arg8: memref<1024x128xf32, #tpu.memory_space<vmem>>, %arg9: memref<1024x128xf32, #tpu.memory_space<vmem>>, %arg10: memref<1024x128xf32, #tpu.memory_space<vmem>>) attributes {dimension_semantics = [#tpu.dimension_semantics<arbitrary>, #tpu.dimension_semantics<arbitrary>], iteration_bounds = array<i64: 2, 16>, scalar_prefetch = 0 : i64, scratch_operands = 4 : i64, tpu.core_type = #tpu.core_type<tc>, window_params = [{pipeline_mode = #tpu.pipeline_mode<synchronous>, transform_indices = @transform_0, window_bounds = array<i64: 1024, 512>}, {transform_indices = @transform_1, window_bounds = array<i64: 512, 512>}, {transform_indices = @transform_2, window_bounds = array<i64: 1, 1024, 1>}, {pipeline_mode = #tpu.pipeline_mode<synchronous>, transform_indices = @transform_3, window_bounds = array<i64: 1024, 1>}, {pipeline_mode = #tpu.pipeline_mode<synchronous>, transform_indices = @transform_4, window_bounds = array<i64: 1024, 1>}]} {
    %get3A = arith.constant 0 : index
    %get3A_0 = arith.constant 0 : index
    %get3A_1 = vector.load %arg2[%get3A, %get3A_0] : memref<1024x512xf32, #tpu.memory_space<vmem>>, vector<1024x512xf32>
    %get3A_2 = arith.constant 0 : index
    %get3A_3 = arith.constant 0 : index
    %get3A_4 = vector.load %arg3[%get3A_2, %get3A_3] : memref<512x512xf32, #tpu.memory_space<vmem>>, vector<512x512xf32>
    %dot_general3A = arith.constant dense<0.000000e+00> : vector<1024x512xf32>
    %dot_general3A_5 = tpu.matmul %get3A_1, %get3A_4, %dot_general3A {dimension_numbers = #tpu.dot_dimension_numbers<[1], [1], [0], [0], [0, 0, 1, 0], [], []>, transpose_lhs_hint = false} : vector<1024x512xf32>, vector<512x512xf32>, vector<1024x512xf32> -> vector<1024x512xf32>
    %reduce_max3A = arith.constant dense<0xFF800000> : vector<1024xf32>
    %reduce_max3A_6 = vector.multi_reduction <maximumf>, %dot_general3A_5, %reduce_max3A [1] : vector<1024x512xf32> to vector<1024xf32>
    %broadcast_in_dim3A = vector.shape_cast %reduce_max3A_6 : vector<1024xf32> to vector<1024x1xf32>
    %eq3A = arith.constant 0 : i32
    %eq3A_7 = arith.cmpi eq, %arg1, %eq3A : i32
    %convert_element_type3A = arith.extui %eq3A_7 : i1 to i32
    %cond3A = arith.constant 0 : i32
    %cond3A_8 = arith.cmpi ne, %convert_element_type3A, %cond3A : i32
    scf.if %cond3A_8 {
      %broadcast_in_dim3A_72 = vector.shape_cast %broadcast_in_dim3A : vector<1024x1xf32> to vector<1024x1xf32>
      %broadcast_in_dim3A_73 = vector.broadcast %broadcast_in_dim3A_72 : vector<1024x1xf32> to vector<1024x128xf32>
      %swap3A_74 = arith.constant 0 : index
      %swap3A_75 = arith.constant 0 : index
      %swap3A_76 = vector.load %arg7[%swap3A_74, %swap3A_75] : memref<1024x128xf32, #tpu.memory_space<vmem>>, vector<1024x128xf32>
      tpu.vector_store %arg7[%swap3A_74, %swap3A_75], %broadcast_in_dim3A_73 {strides = array<i32>} : memref<1024x128xf32, #tpu.memory_space<vmem>>, vector<1024x128xf32>,
      %broadcast_in_dim3A_77 = arith.constant 0.000000e+00 : f32
      %broadcast_in_dim3A_78 = vector.broadcast %broadcast_in_dim3A_77 : f32 to vector<1024x128xf32>
      %swap3A_79 = arith.constant 0 : index
      %swap3A_80 = arith.constant 0 : index
      %swap3A_81 = vector.load %arg8[%swap3A_79, %swap3A_80] : memref<1024x128xf32, #tpu.memory_space<vmem>>, vector<1024x128xf32>
      tpu.vector_store %arg8[%swap3A_79, %swap3A_80], %broadcast_in_dim3A_78 {strides = array<i32>} : memref<1024x128xf32, #tpu.memory_space<vmem>>, vector<1024x128xf32>,
      %broadcast_in_dim3A_82 = arith.constant 0.000000e+00 : f32
      %broadcast_in_dim3A_83 = vector.broadcast %broadcast_in_dim3A_82 : f32 to vector<1024x128xf32>
      %swap3A_84 = arith.constant 0 : index
      %swap3A_85 = arith.constant 0 : index
      %swap3A_86 = vector.load %arg9[%swap3A_84, %swap3A_85] : memref<1024x128xf32, #tpu.memory_space<vmem>>, vector<1024x128xf32>
      tpu.vector_store %arg9[%swap3A_84, %swap3A_85], %broadcast_in_dim3A_83 {strides = array<i32>} : memref<1024x128xf32, #tpu.memory_space<vmem>>, vector<1024x128xf32>,
      %broadcast_in_dim3A_87 = arith.constant 0.000000e+00 : f32
      %broadcast_in_dim3A_88 = vector.broadcast %broadcast_in_dim3A_87 : f32 to vector<1024x128xf32>
      %swap3A_89 = arith.constant 0 : index
      %swap3A_90 = arith.constant 0 : index
      %swap3A_91 = vector.load %arg10[%swap3A_89, %swap3A_90] : memref<1024x128xf32, #tpu.memory_space<vmem>>, vector<1024x128xf32>
      tpu.vector_store %arg10[%swap3A_89, %swap3A_90], %broadcast_in_dim3A_88 {strides = array<i32>} : memref<1024x128xf32, #tpu.memory_space<vmem>>, vector<1024x128xf32>,
    } else {
    }
    %get3A_9 = arith.constant 0 : index
    %get3A_10 = arith.constant 0 : index
    %get3A_11 = arith.constant 0 : index
    %get3A_12 = vector.load %arg4[%get3A_9, %get3A_10, %get3A_11] : memref<1x1024x1xi32, #tpu.memory_space<vmem>>, vector<1x1024x1xi32>
    %get3A_13 = vector.shape_cast %get3A_12 : vector<1x1024x1xi32> to vector<1024x1xi32>
    %iota3A = tpu.iota {dimensions = array<i32: 1>} : vector<1024x512xi32>
    %mul3A = arith.constant 512 : i32
    %mul3A_14 = arith.muli %arg1, %mul3A : i32
    %add3A = vector.broadcast %mul3A_14 : i32 to vector<1024x512xi32>
    %add3A_15 = arith.addi %iota3A, %add3A : vector<1024x512xi32>
    %eq3A_16 = vector.broadcast %get3A_13 : vector<1024x1xi32> to vector<1024x512xi32>
    %eq3A_17 = arith.cmpi eq, %add3A_15, %eq3A_16 : vector<1024x512xi32>
    %jit3A = arith.constant 0.000000e+00 : f32
    %broadcast_in_dim3A_18 = vector.broadcast %jit3A : f32 to vector<1024x512xf32>
    %select_n3A = arith.select %eq3A_17, %dot_general3A_5, %broadcast_in_dim3A_18 : vector<1024x512xi1>, vector<1024x512xf32>
    %reduce_sum3A = arith.constant dense<0.000000e+00> : vector<1024xf32>
    %reduce_sum3A_19 = vector.multi_reduction <add>, %select_n3A, %reduce_sum3A [1] : vector<1024x512xf32> to vector<1024xf32>
    %broadcast_in_dim3A_20 = vector.shape_cast %reduce_sum3A_19 : vector<1024xf32> to vector<1024x1xf32>
    %get3A_21 = arith.constant 0 : index
    %get3A_22 = arith.constant 0 : index
    %get3A_23 = vector.load %arg7[%get3A_21, %get3A_22] : memref<1024x128xf32, #tpu.memory_space<vmem>>, vector<1024x1xf32>
    %max3A = arith.maximumf %get3A_23, %broadcast_in_dim3A : vector<1024x1xf32>
    %sub3A = arith.subf %get3A_23, %max3A : vector<1024x1xf32>
    %exp3A = math.exp %sub3A : vector<1024x1xf32>
    %sub3A_24 = vector.broadcast %max3A : vector<1024x1xf32> to vector<1024x512xf32>
    %sub3A_25 = arith.subf %dot_general3A_5, %sub3A_24 : vector<1024x512xf32>
    %exp3A_26 = math.exp %sub3A_25 : vector<1024x512xf32>
    %get3A_27 = arith.constant 0 : index
    %get3A_28 = arith.constant 0 : index
    %get3A_29 = vector.load %arg8[%get3A_27, %get3A_28] : memref<1024x128xf32, #tpu.memory_space<vmem>>, vector<1024x1xf32>
    %mul3A_30 = arith.mulf %get3A_29, %exp3A : vector<1024x1xf32>
    %reduce_sum3A_31 = arith.constant dense<0.000000e+00> : vector<1024xf32>
    %reduce_sum3A_32 = vector.multi_reduction <add>, %exp3A_26, %reduce_sum3A_31 [1] : vector<1024x512xf32> to vector<1024xf32>
    %broadcast_in_dim3A_33 = vector.shape_cast %reduce_sum3A_32 : vector<1024xf32> to vector<1024x1xf32>
    %add3A_34 = arith.addf %mul3A_30, %broadcast_in_dim3A_33 : vector<1024x1xf32>
    %get3A_35 = arith.constant 0 : index
    %get3A_36 = arith.constant 0 : index
    %get3A_37 = vector.load %arg9[%get3A_35, %get3A_36] : memref<1024x128xf32, #tpu.memory_space<vmem>>, vector<1024x1xf32>
    %mul3A_38 = arith.mulf %get3A_37, %exp3A : vector<1024x1xf32>
    %mul3A_39 = arith.mulf %exp3A_26, %dot_general3A_5 : vector<1024x512xf32>
    %reduce_sum3A_40 = arith.constant dense<0.000000e+00> : vector<1024xf32>
    %reduce_sum3A_41 = vector.multi_reduction <add>, %mul3A_39, %reduce_sum3A_40 [1] : vector<1024x512xf32> to vector<1024xf32>
    %broadcast_in_dim3A_42 = vector.shape_cast %reduce_sum3A_41 : vector<1024xf32> to vector<1024x1xf32>
    %add3A_43 = arith.addf %mul3A_38, %broadcast_in_dim3A_42 : vector<1024x1xf32>
    %get3A_44 = arith.constant 0 : index
    %get3A_45 = arith.constant 0 : index
    %get3A_46 = vector.load %arg10[%get3A_44, %get3A_45] : memref<1024x128xf32, #tpu.memory_space<vmem>>, vector<1024x1xf32>
    %add3A_47 = arith.addf %get3A_46, %broadcast_in_dim3A_20 : vector<1024x1xf32>
    %broadcast_in_dim3A_48 = vector.shape_cast %max3A : vector<1024x1xf32> to vector<1024x1xf32>
    %broadcast_in_dim3A_49 = vector.broadcast %broadcast_in_dim3A_48 : vector<1024x1xf32> to vector<1024x128xf32>
    %swap3A = arith.constant 0 : index
    %swap3A_50 = arith.constant 0 : index
    %swap3A_51 = vector.load %arg7[%swap3A, %swap3A_50] : memref<1024x128xf32, #tpu.memory_space<vmem>>, vector<1024x128xf32>
    tpu.vector_store %arg7[%swap3A, %swap3A_50], %broadcast_in_dim3A_49 {strides = array<i32>} : memref<1024x128xf32, #tpu.memory_space<vmem>>, vector<1024x128xf32>,
    %broadcast_in_dim3A_52 = vector.shape_cast %add3A_34 : vector<1024x1xf32> to vector<1024x1xf32>
    %broadcast_in_dim3A_53 = vector.broadcast %broadcast_in_dim3A_52 : vector<1024x1xf32> to vector<1024x128xf32>
    %swap3A_54 = arith.constant 0 : index
    %swap3A_55 = arith.constant 0 : index
    %swap3A_56 = vector.load %arg8[%swap3A_54, %swap3A_55] : memref<1024x128xf32, #tpu.memory_space<vmem>>, vector<1024x128xf32>
    tpu.vector_store %arg8[%swap3A_54, %swap3A_55], %broadcast_in_dim3A_53 {strides = array<i32>} : memref<1024x128xf32, #tpu.memory_space<vmem>>, vector<1024x128xf32>,
    %broadcast_in_dim3A_57 = vector.shape_cast %add3A_43 : vector<1024x1xf32> to vector<1024x1xf32>
    %broadcast_in_dim3A_58 = vector.broadcast %broadcast_in_dim3A_57 : vector<1024x1xf32> to vector<1024x128xf32>
    %swap3A_59 = arith.constant 0 : index
    %swap3A_60 = arith.constant 0 : index
    %swap3A_61 = vector.load %arg9[%swap3A_59, %swap3A_60] : memref<1024x128xf32, #tpu.memory_space<vmem>>, vector<1024x128xf32>
    tpu.vector_store %arg9[%swap3A_59, %swap3A_60], %broadcast_in_dim3A_58 {strides = array<i32>} : memref<1024x128xf32, #tpu.memory_space<vmem>>, vector<1024x128xf32>,
    %broadcast_in_dim3A_62 = vector.shape_cast %add3A_47 : vector<1024x1xf32> to vector<1024x1xf32>
    %broadcast_in_dim3A_63 = vector.broadcast %broadcast_in_dim3A_62 : vector<1024x1xf32> to vector<1024x128xf32>
    %swap3A_64 = arith.constant 0 : index
    %swap3A_65 = arith.constant 0 : index
    %swap3A_66 = vector.load %arg10[%swap3A_64, %swap3A_65] : memref<1024x128xf32, #tpu.memory_space<vmem>>, vector<1024x128xf32>
    tpu.vector_store %arg10[%swap3A_64, %swap3A_65], %broadcast_in_dim3A_63 {strides = array<i32>} : memref<1024x128xf32, #tpu.memory_space<vmem>>, vector<1024x128xf32>,
    %eq3A_67 = arith.constant 15 : i32
    %eq3A_68 = arith.cmpi eq, %arg1, %eq3A_67 : i32
    %convert_element_type3A_69 = arith.extui %eq3A_68 : i1 to i32
    %cond3A_70 = arith.constant 0 : i32
    %cond3A_71 = arith.cmpi ne, %convert_element_type3A_69, %cond3A_70 : i32
    scf.if %cond3A_71 {
      %log3A = math.log %add3A_34 : vector<1024x1xf32>
      %add3A_72 = arith.addf %max3A, %log3A : vector<1024x1xf32>
      %sub3A_73 = arith.subf %add3A_47, %add3A_72 : vector<1024x1xf32>
      %div3A = arith.divf %add3A_43, %add3A_34 : vector<1024x1xf32>
      %sub3A_74 = arith.subf %add3A_72, %div3A : vector<1024x1xf32>
      %eq3A_75 = arith.constant 0 : i32
      %eq3A_76 = arith.cmpi eq, %arg0, %eq3A_75 : i32
      %convert_element_type3A_77 = arith.extui %eq3A_76 : i1 to i32
      %cond3A_78 = arith.constant 0 : i32
      %cond3A_79 = arith.cmpi ne, %convert_element_type3A_77, %cond3A_78 : i32
      scf.if %cond3A_79 {
        %swap3A_84 = arith.constant 0 : index
        %swap3A_85 = arith.constant 0 : index
        %swap3A_86 = vector.load %arg5[%swap3A_84, %swap3A_85] : memref<1024x1xf32, #tpu.memory_space<vmem>>, vector<1024x1xf32>
        tpu.vector_store %arg5[%swap3A_84, %swap3A_85], %sub3A_73 {strides = array<i32>} : memref<1024x1xf32, #tpu.memory_space<vmem>>, vector<1024x1xf32>,
        %swap3A_87 = arith.constant 0 : index
        %swap3A_88 = arith.constant 0 : index
        %swap3A_89 = vector.load %arg6[%swap3A_87, %swap3A_88] : memref<1024x1xf32, #tpu.memory_space<vmem>>, vector<1024x1xf32>
        tpu.vector_store %arg6[%swap3A_87, %swap3A_88], %sub3A_74 {strides = array<i32>} : memref<1024x1xf32, #tpu.memory_space<vmem>>, vector<1024x1xf32>,
      } else {
      }
      %ne3A = arith.constant 0 : i32
      %ne3A_80 = arith.cmpi ne, %arg0, %ne3A : i32
      %convert_element_type3A_81 = arith.extui %ne3A_80 : i1 to i32
      %cond3A_82 = arith.constant 0 : i32
      %cond3A_83 = arith.cmpi ne, %convert_element_type3A_81, %cond3A_82 : i32
      scf.if %cond3A_83 {
        %get3A_84 = arith.constant 0 : index
        %get3A_85 = arith.constant 0 : index
        %get3A_86 = vector.load %arg5[%get3A_84, %get3A_85] : memref<1024x1xf32, #tpu.memory_space<vmem>>, vector<1024x1xf32>
        %add3A_87 = arith.addf %get3A_86, %sub3A_73 : vector<1024x1xf32>
        %swap3A_88 = arith.constant 0 : index
        %swap3A_89 = arith.constant 0 : index
        %swap3A_90 = vector.load %arg5[%swap3A_88, %swap3A_89] : memref<1024x1xf32, #tpu.memory_space<vmem>>, vector<1024x1xf32>
        tpu.vector_store %arg5[%swap3A_88, %swap3A_89], %add3A_87 {strides = array<i32>} : memref<1024x1xf32, #tpu.memory_space<vmem>>, vector<1024x1xf32>,
        %get3A_91 = arith.constant 0 : index
        %get3A_92 = arith.constant 0 : index
        %get3A_93 = vector.load %arg6[%get3A_91, %get3A_92] : memref<1024x1xf32, #tpu.memory_space<vmem>>, vector<1024x1xf32>
        %add3A_94 = arith.addf %get3A_93, %sub3A_74 : vector<1024x1xf32>
        %swap3A_95 = arith.constant 0 : index
        %swap3A_96 = arith.constant 0 : index
        %swap3A_97 = vector.load %arg6[%swap3A_95, %swap3A_96] : memref<1024x1xf32, #tpu.memory_space<vmem>>, vector<1024x1xf32>
        tpu.vector_store %arg6[%swap3A_95, %swap3A_96], %add3A_94 {strides = array<i32>} : memref<1024x1xf32, #tpu.memory_space<vmem>>, vector<1024x1xf32>,
      } else {
      }
    } else {
    }
    return
  }
  func.func @transform_0(%arg0: i32, %arg1: i32) -> (i32, i32) {
    %c0_i32 = arith.constant 0 : i32
    %c0_i32_0 = arith.constant 0 : i32
    %c0_i32_1 = arith.constant 0 : i32
    return %c0_i32, %c0_i32_0 : i32, i32
  }
  func.func @transform_1(%arg0: i32, %arg1: i32) -> (i32, i32) {
    %mul3A = arith.constant 16 : i32
    %mul3A_0 = arith.muli %arg0, %mul3A : i32
    %add3A = arith.addi %mul3A_0, %arg1 : i32
    %c0_i32 = arith.constant 0 : i32
    %c0_i32_1 = arith.constant 0 : i32
    return %add3A, %c0_i32 : i32, i32
  }
  func.func @transform_2(%arg0: i32, %arg1: i32) -> (i32, i32, i32) {
    %c0_i32 = arith.constant 0 : i32
    %c0_i32_0 = arith.constant 0 : i32
    %c0_i32_1 = arith.constant 0 : i32
    return %arg0, %c0_i32, %c0_i32_0 : i32, i32, i32
  }
  func.func @transform_3(%arg0: i32, %arg1: i32) -> (i32, i32) {
    %c0_i32 = arith.constant 0 : i32
    %c0_i32_0 = arith.constant 0 : i32
    %c0_i32_1 = arith.constant 0 : i32
    return %c0_i32, %c0_i32_0 : i32, i32
  }
  func.func @transform_4(%arg0: i32, %arg1: i32) -> (i32, i32) {
    %c0_i32 = arith.constant 0 : i32
    %c0_i32_0 = arith.constant 0 : i32
    %c0_i32_1 = arith.constant 0 : i32
    return %c0_i32, %c0_i32_0 : i32, i32
  }
}

module attributes {stable_mosaic.version = 14 : i64} {
  func.func @_lvl1_body(%arg0: i32, %arg1: i32, %arg2: memref<1024x512xf32, #tpu.memory_space<vmem>>, %arg3: memref<1024x64xf32, #tpu.memory_space<vmem>>, %arg4: memref<1024x64xf32, #tpu.memory_space<vmem>>, %arg5: memref<512x576xf32, #tpu.memory_space<vmem>>, %arg6: memref<1x1024x1xi32, #tpu.memory_space<vmem>>, %arg7: memref<1024x1xf32, #tpu.memory_space<vmem>>, %arg8: memref<1024x1xf32, #tpu.memory_space<vmem>>, %arg9: memref<1024x64xf32, #tpu.memory_space<vmem>>, %arg10: memref<1024x1xf32, #tpu.memory_space<vmem>>, %arg11: memref<1024x1xf32, #tpu.memory_space<vmem>>, %arg12: memref<1024x128xf32, #tpu.memory_space<vmem>>, %arg13: memref<1024x128xf32, #tpu.memory_space<vmem>>, %arg14: memref<1024x128xf32, #tpu.memory_space<vmem>>, %arg15: memref<1024x128xf32, #tpu.memory_space<vmem>>) attributes {dimension_semantics = [#tpu.dimension_semantics<arbitrary>, #tpu.dimension_semantics<arbitrary>], iteration_bounds = array<i64: 2, 16>, scalar_prefetch = 0 : i64, scratch_operands = 4 : i64, tpu.core_type = #tpu.core_type<tc>, window_params = [{pipeline_mode = #tpu.pipeline_mode<synchronous>, transform_indices = @transform_0, window_bounds = array<i64: 1024, 512>}, {pipeline_mode = #tpu.pipeline_mode<synchronous>, transform_indices = @transform_1, window_bounds = array<i64: 1024, 64>}, {pipeline_mode = #tpu.pipeline_mode<synchronous>, transform_indices = @transform_2, window_bounds = array<i64: 1024, 64>}, {transform_indices = @transform_3, window_bounds = array<i64: 512, 576>}, {transform_indices = @transform_4, window_bounds = array<i64: 1, 1024, 1>}, {pipeline_mode = #tpu.pipeline_mode<synchronous>, transform_indices = @transform_5, window_bounds = array<i64: 1024, 1>}, {pipeline_mode = #tpu.pipeline_mode<synchronous>, transform_indices = @transform_6, window_bounds = array<i64: 1024, 1>}, {pipeline_mode = #tpu.pipeline_mode<synchronous>, transform_indices = @transform_7, window_bounds = array<i64: 1024, 64>}, {pipeline_mode = #tpu.pipeline_mode<synchronous>, transform_indices = @transform_8, window_bounds = array<i64: 1024, 1>}, {pipeline_mode = #tpu.pipeline_mode<synchronous>, transform_indices = @transform_9, window_bounds = array<i64: 1024, 1>}]} {
    %eq3A = arith.constant 0 : i32
    %eq3A_0 = arith.cmpi eq, %arg0, %eq3A : i32
    %eq3A_1 = arith.constant 0 : i32
    %eq3A_2 = arith.cmpi eq, %arg1, %eq3A_1 : i32
    %and3A = arith.andi %eq3A_0, %eq3A_2 : i1
    %convert_element_type3A = arith.extui %and3A : i1 to i32
    %cond3A = arith.constant 0 : i32
    %cond3A_3 = arith.cmpi ne, %convert_element_type3A, %cond3A : i32
    scf.if %cond3A_3 {
      %get3A_88 = arith.constant 0 : index
      %get3A_89 = arith.constant 0 : index
      %get3A_90 = vector.load %arg3[%get3A_88, %get3A_89] : memref<1024x64xf32, #tpu.memory_space<vmem>>, vector<1024x64xf32>
      %get3A_91 = arith.constant 0 : index
      %get3A_92 = arith.constant 0 : index
      %get3A_93 = vector.load %arg4[%get3A_91, %get3A_92] : memref<1024x64xf32, #tpu.memory_space<vmem>>, vector<1024x64xf32>
      %add3A_94 = arith.addf %get3A_90, %get3A_93 : vector<1024x64xf32>
      %swap3A_95 = arith.constant 0 : index
      %swap3A_96 = arith.constant 0 : index
      %swap3A_97 = vector.load %arg9[%swap3A_95, %swap3A_96] : memref<1024x64xf32, #tpu.memory_space<vmem>>, vector<1024x64xf32>
      tpu.vector_store %arg9[%swap3A_95, %swap3A_96], %add3A_94 {strides = array<i32>} : memref<1024x64xf32, #tpu.memory_space<vmem>>, vector<1024x64xf32>,
    } else {
    }
    %get3A = arith.constant 0 : index
    %get3A_4 = arith.constant 0 : index
    %get3A_5 = vector.load %arg2[%get3A, %get3A_4] : memref<1024x512xf32, #tpu.memory_space<vmem>>, vector<1024x512xf32>
    %get3A_6 = arith.constant 0 : index
    %get3A_7 = arith.constant 0 : index
    %get3A_8 = vector.load %arg5[%get3A_6, %get3A_7] : memref<512x576xf32, #tpu.memory_space<vmem>>, vector<512x512xf32>
    %dot_general3A = arith.constant dense<0.000000e+00> : vector<1024x512xf32>
    %dot_general3A_9 = tpu.matmul %get3A_5, %get3A_8, %dot_general3A {dimension_numbers = #tpu.dot_dimension_numbers<[1], [1], [0], [0], [0, 0, 1, 0], [], []>, transpose_lhs_hint = false} : vector<1024x512xf32>, vector<512x512xf32>, vector<1024x512xf32> -> vector<1024x512xf32>
    %get3A_10 = arith.constant 0 : index
    %get3A_11 = arith.constant 0 : index
    %get3A_12 = vector.load %arg3[%get3A_10, %get3A_11] : memref<1024x64xf32, #tpu.memory_space<vmem>>, vector<1024x64xf32>
    %get3A_13 = arith.constant 0 : index
    %get3A_14 = arith.constant 512 : index
    %get3A_15 = vector.load %arg5[%get3A_13, %get3A_14] : memref<512x576xf32, #tpu.memory_space<vmem>>, vector<512x64xf32>
    %dot_general3A_16 = arith.constant dense<0.000000e+00> : vector<1024x512xf32>
    %dot_general3A_17 = tpu.matmul %get3A_12, %get3A_15, %dot_general3A_16 {dimension_numbers = #tpu.dot_dimension_numbers<[1], [1], [0], [0], [0, 0, 1, 0], [], []>, transpose_lhs_hint = false} : vector<1024x64xf32>, vector<512x64xf32>, vector<1024x512xf32> -> vector<1024x512xf32>
    %add3A = arith.addf %dot_general3A_9, %dot_general3A_17 : vector<1024x512xf32>
    %reduce_max3A = arith.constant dense<0xFF800000> : vector<1024xf32>
    %reduce_max3A_18 = vector.multi_reduction <maximumf>, %add3A, %reduce_max3A [1] : vector<1024x512xf32> to vector<1024xf32>
    %broadcast_in_dim3A = vector.shape_cast %reduce_max3A_18 : vector<1024xf32> to vector<1024x1xf32>
    %eq3A_19 = arith.constant 0 : i32
    %eq3A_20 = arith.cmpi eq, %arg1, %eq3A_19 : i32
    %convert_element_type3A_21 = arith.extui %eq3A_20 : i1 to i32
    %cond3A_22 = arith.constant 0 : i32
    %cond3A_23 = arith.cmpi ne, %convert_element_type3A_21, %cond3A_22 : i32
    scf.if %cond3A_23 {
      %broadcast_in_dim3A_88 = vector.shape_cast %broadcast_in_dim3A : vector<1024x1xf32> to vector<1024x1xf32>
      %broadcast_in_dim3A_89 = vector.broadcast %broadcast_in_dim3A_88 : vector<1024x1xf32> to vector<1024x128xf32>
      %swap3A_90 = arith.constant 0 : index
      %swap3A_91 = arith.constant 0 : index
      %swap3A_92 = vector.load %arg12[%swap3A_90, %swap3A_91] : memref<1024x128xf32, #tpu.memory_space<vmem>>, vector<1024x128xf32>
      tpu.vector_store %arg12[%swap3A_90, %swap3A_91], %broadcast_in_dim3A_89 {strides = array<i32>} : memref<1024x128xf32, #tpu.memory_space<vmem>>, vector<1024x128xf32>,
      %broadcast_in_dim3A_93 = arith.constant 0.000000e+00 : f32
      %broadcast_in_dim3A_94 = vector.broadcast %broadcast_in_dim3A_93 : f32 to vector<1024x128xf32>
      %swap3A_95 = arith.constant 0 : index
      %swap3A_96 = arith.constant 0 : index
      %swap3A_97 = vector.load %arg13[%swap3A_95, %swap3A_96] : memref<1024x128xf32, #tpu.memory_space<vmem>>, vector<1024x128xf32>
      tpu.vector_store %arg13[%swap3A_95, %swap3A_96], %broadcast_in_dim3A_94 {strides = array<i32>} : memref<1024x128xf32, #tpu.memory_space<vmem>>, vector<1024x128xf32>,
      %broadcast_in_dim3A_98 = arith.constant 0.000000e+00 : f32
      %broadcast_in_dim3A_99 = vector.broadcast %broadcast_in_dim3A_98 : f32 to vector<1024x128xf32>
      %swap3A_100 = arith.constant 0 : index
      %swap3A_101 = arith.constant 0 : index
      %swap3A_102 = vector.load %arg14[%swap3A_100, %swap3A_101] : memref<1024x128xf32, #tpu.memory_space<vmem>>, vector<1024x128xf32>
      tpu.vector_store %arg14[%swap3A_100, %swap3A_101], %broadcast_in_dim3A_99 {strides = array<i32>} : memref<1024x128xf32, #tpu.memory_space<vmem>>, vector<1024x128xf32>,
      %broadcast_in_dim3A_103 = arith.constant 0.000000e+00 : f32
      %broadcast_in_dim3A_104 = vector.broadcast %broadcast_in_dim3A_103 : f32 to vector<1024x128xf32>
      %swap3A_105 = arith.constant 0 : index
      %swap3A_106 = arith.constant 0 : index
      %swap3A_107 = vector.load %arg15[%swap3A_105, %swap3A_106] : memref<1024x128xf32, #tpu.memory_space<vmem>>, vector<1024x128xf32>
      tpu.vector_store %arg15[%swap3A_105, %swap3A_106], %broadcast_in_dim3A_104 {strides = array<i32>} : memref<1024x128xf32, #tpu.memory_space<vmem>>, vector<1024x128xf32>,
    } else {
    }
    %get3A_24 = arith.constant 0 : index
    %get3A_25 = arith.constant 0 : index
    %get3A_26 = arith.constant 0 : index
    %get3A_27 = vector.load %arg6[%get3A_24, %get3A_25, %get3A_26] : memref<1x1024x1xi32, #tpu.memory_space<vmem>>, vector<1x1024x1xi32>
    %get3A_28 = vector.shape_cast %get3A_27 : vector<1x1024x1xi32> to vector<1024x1xi32>
    %iota3A = tpu.iota {dimensions = array<i32: 1>} : vector<1024x512xi32>
    %mul3A = arith.constant 512 : i32
    %mul3A_29 = arith.muli %arg1, %mul3A : i32
    %add3A_30 = vector.broadcast %mul3A_29 : i32 to vector<1024x512xi32>
    %add3A_31 = arith.addi %iota3A, %add3A_30 : vector<1024x512xi32>
    %eq3A_32 = vector.broadcast %get3A_28 : vector<1024x1xi32> to vector<1024x512xi32>
    %eq3A_33 = arith.cmpi eq, %add3A_31, %eq3A_32 : vector<1024x512xi32>
    %jit3A = arith.constant 0.000000e+00 : f32
    %broadcast_in_dim3A_34 = vector.broadcast %jit3A : f32 to vector<1024x512xf32>
    %select_n3A = arith.select %eq3A_33, %add3A, %broadcast_in_dim3A_34 : vector<1024x512xi1>, vector<1024x512xf32>
    %reduce_sum3A = arith.constant dense<0.000000e+00> : vector<1024xf32>
    %reduce_sum3A_35 = vector.multi_reduction <add>, %select_n3A, %reduce_sum3A [1] : vector<1024x512xf32> to vector<1024xf32>
    %broadcast_in_dim3A_36 = vector.shape_cast %reduce_sum3A_35 : vector<1024xf32> to vector<1024x1xf32>
    %get3A_37 = arith.constant 0 : index
    %get3A_38 = arith.constant 0 : index
    %get3A_39 = vector.load %arg12[%get3A_37, %get3A_38] : memref<1024x128xf32, #tpu.memory_space<vmem>>, vector<1024x1xf32>
    %max3A = arith.maximumf %get3A_39, %broadcast_in_dim3A : vector<1024x1xf32>
    %sub3A = arith.subf %get3A_39, %max3A : vector<1024x1xf32>
    %exp3A = math.exp %sub3A : vector<1024x1xf32>
    %sub3A_40 = vector.broadcast %max3A : vector<1024x1xf32> to vector<1024x512xf32>
    %sub3A_41 = arith.subf %add3A, %sub3A_40 : vector<1024x512xf32>
    %exp3A_42 = math.exp %sub3A_41 : vector<1024x512xf32>
    %get3A_43 = arith.constant 0 : index
    %get3A_44 = arith.constant 0 : index
    %get3A_45 = vector.load %arg13[%get3A_43, %get3A_44] : memref<1024x128xf32, #tpu.memory_space<vmem>>, vector<1024x1xf32>
    %mul3A_46 = arith.mulf %get3A_45, %exp3A : vector<1024x1xf32>
    %reduce_sum3A_47 = arith.constant dense<0.000000e+00> : vector<1024xf32>
    %reduce_sum3A_48 = vector.multi_reduction <add>, %exp3A_42, %reduce_sum3A_47 [1] : vector<1024x512xf32> to vector<1024xf32>
    %broadcast_in_dim3A_49 = vector.shape_cast %reduce_sum3A_48 : vector<1024xf32> to vector<1024x1xf32>
    %add3A_50 = arith.addf %mul3A_46, %broadcast_in_dim3A_49 : vector<1024x1xf32>
    %get3A_51 = arith.constant 0 : index
    %get3A_52 = arith.constant 0 : index
    %get3A_53 = vector.load %arg14[%get3A_51, %get3A_52] : memref<1024x128xf32, #tpu.memory_space<vmem>>, vector<1024x1xf32>
    %mul3A_54 = arith.mulf %get3A_53, %exp3A : vector<1024x1xf32>
    %mul3A_55 = arith.mulf %exp3A_42, %add3A : vector<1024x512xf32>
    %reduce_sum3A_56 = arith.constant dense<0.000000e+00> : vector<1024xf32>
    %reduce_sum3A_57 = vector.multi_reduction <add>, %mul3A_55, %reduce_sum3A_56 [1] : vector<1024x512xf32> to vector<1024xf32>
    %broadcast_in_dim3A_58 = vector.shape_cast %reduce_sum3A_57 : vector<1024xf32> to vector<1024x1xf32>
    %add3A_59 = arith.addf %mul3A_54, %broadcast_in_dim3A_58 : vector<1024x1xf32>
    %get3A_60 = arith.constant 0 : index
    %get3A_61 = arith.constant 0 : index
    %get3A_62 = vector.load %arg15[%get3A_60, %get3A_61] : memref<1024x128xf32, #tpu.memory_space<vmem>>, vector<1024x1xf32>
    %add3A_63 = arith.addf %get3A_62, %broadcast_in_dim3A_36 : vector<1024x1xf32>
    %broadcast_in_dim3A_64 = vector.shape_cast %max3A : vector<1024x1xf32> to vector<1024x1xf32>
    %broadcast_in_dim3A_65 = vector.broadcast %broadcast_in_dim3A_64 : vector<1024x1xf32> to vector<1024x128xf32>
    %swap3A = arith.constant 0 : index
    %swap3A_66 = arith.constant 0 : index
    %swap3A_67 = vector.load %arg12[%swap3A, %swap3A_66] : memref<1024x128xf32, #tpu.memory_space<vmem>>, vector<1024x128xf32>
    tpu.vector_store %arg12[%swap3A, %swap3A_66], %broadcast_in_dim3A_65 {strides = array<i32>} : memref<1024x128xf32, #tpu.memory_space<vmem>>, vector<1024x128xf32>,
    %broadcast_in_dim3A_68 = vector.shape_cast %add3A_50 : vector<1024x1xf32> to vector<1024x1xf32>
    %broadcast_in_dim3A_69 = vector.broadcast %broadcast_in_dim3A_68 : vector<1024x1xf32> to vector<1024x128xf32>
    %swap3A_70 = arith.constant 0 : index
    %swap3A_71 = arith.constant 0 : index
    %swap3A_72 = vector.load %arg13[%swap3A_70, %swap3A_71] : memref<1024x128xf32, #tpu.memory_space<vmem>>, vector<1024x128xf32>
    tpu.vector_store %arg13[%swap3A_70, %swap3A_71], %broadcast_in_dim3A_69 {strides = array<i32>} : memref<1024x128xf32, #tpu.memory_space<vmem>>, vector<1024x128xf32>,
    %broadcast_in_dim3A_73 = vector.shape_cast %add3A_59 : vector<1024x1xf32> to vector<1024x1xf32>
    %broadcast_in_dim3A_74 = vector.broadcast %broadcast_in_dim3A_73 : vector<1024x1xf32> to vector<1024x128xf32>
    %swap3A_75 = arith.constant 0 : index
    %swap3A_76 = arith.constant 0 : index
    %swap3A_77 = vector.load %arg14[%swap3A_75, %swap3A_76] : memref<1024x128xf32, #tpu.memory_space<vmem>>, vector<1024x128xf32>
    tpu.vector_store %arg14[%swap3A_75, %swap3A_76], %broadcast_in_dim3A_74 {strides = array<i32>} : memref<1024x128xf32, #tpu.memory_space<vmem>>, vector<1024x128xf32>,
    %broadcast_in_dim3A_78 = vector.shape_cast %add3A_63 : vector<1024x1xf32> to vector<1024x1xf32>
    %broadcast_in_dim3A_79 = vector.broadcast %broadcast_in_dim3A_78 : vector<1024x1xf32> to vector<1024x128xf32>
    %swap3A_80 = arith.constant 0 : index
    %swap3A_81 = arith.constant 0 : index
    %swap3A_82 = vector.load %arg15[%swap3A_80, %swap3A_81] : memref<1024x128xf32, #tpu.memory_space<vmem>>, vector<1024x128xf32>
    tpu.vector_store %arg15[%swap3A_80, %swap3A_81], %broadcast_in_dim3A_79 {strides = array<i32>} : memref<1024x128xf32, #tpu.memory_space<vmem>>, vector<1024x128xf32>,
    %eq3A_83 = arith.constant 15 : i32
    %eq3A_84 = arith.cmpi eq, %arg1, %eq3A_83 : i32
    %convert_element_type3A_85 = arith.extui %eq3A_84 : i1 to i32
    %cond3A_86 = arith.constant 0 : i32
    %cond3A_87 = arith.cmpi ne, %convert_element_type3A_85, %cond3A_86 : i32
    scf.if %cond3A_87 {
      %log3A = math.log %add3A_50 : vector<1024x1xf32>
      %add3A_88 = arith.addf %max3A, %log3A : vector<1024x1xf32>
      %sub3A_89 = arith.subf %add3A_63, %add3A_88 : vector<1024x1xf32>
      %div3A = arith.divf %add3A_59, %add3A_50 : vector<1024x1xf32>
      %sub3A_90 = arith.subf %add3A_88, %div3A : vector<1024x1xf32>
      %eq3A_91 = arith.constant 0 : i32
      %eq3A_92 = arith.cmpi eq, %arg0, %eq3A_91 : i32
      %convert_element_type3A_93 = arith.extui %eq3A_92 : i1 to i32
      %cond3A_94 = arith.constant 0 : i32
      %cond3A_95 = arith.cmpi ne, %convert_element_type3A_93, %cond3A_94 : i32
      scf.if %cond3A_95 {
        %get3A_100 = arith.constant 0 : index
        %get3A_101 = arith.constant 0 : index
        %get3A_102 = vector.load %arg7[%get3A_100, %get3A_101] : memref<1024x1xf32, #tpu.memory_space<vmem>>, vector<1024x1xf32>
        %add3A_103 = arith.addf %get3A_102, %sub3A_89 : vector<1024x1xf32>
        %swap3A_104 = arith.constant 0 : index
        %swap3A_105 = arith.constant 0 : index
        %swap3A_106 = vector.load %arg10[%swap3A_104, %swap3A_105] : memref<1024x1xf32, #tpu.memory_space<vmem>>, vector<1024x1xf32>
        tpu.vector_store %arg10[%swap3A_104, %swap3A_105], %add3A_103 {strides = array<i32>} : memref<1024x1xf32, #tpu.memory_space<vmem>>, vector<1024x1xf32>,
        %get3A_107 = arith.constant 0 : index
        %get3A_108 = arith.constant 0 : index
        %get3A_109 = vector.load %arg8[%get3A_107, %get3A_108] : memref<1024x1xf32, #tpu.memory_space<vmem>>, vector<1024x1xf32>
        %add3A_110 = arith.addf %get3A_109, %sub3A_90 : vector<1024x1xf32>
        %swap3A_111 = arith.constant 0 : index
        %swap3A_112 = arith.constant 0 : index
        %swap3A_113 = vector.load %arg11[%swap3A_111, %swap3A_112] : memref<1024x1xf32, #tpu.memory_space<vmem>>, vector<1024x1xf32>
        tpu.vector_store %arg11[%swap3A_111, %swap3A_112], %add3A_110 {strides = array<i32>} : memref<1024x1xf32, #tpu.memory_space<vmem>>, vector<1024x1xf32>,
      } else {
      }
      %ne3A = arith.constant 0 : i32
      %ne3A_96 = arith.cmpi ne, %arg0, %ne3A : i32
      %convert_element_type3A_97 = arith.extui %ne3A_96 : i1 to i32
      %cond3A_98 = arith.constant 0 : i32
      %cond3A_99 = arith.cmpi ne, %convert_element_type3A_97, %cond3A_98 : i32
      scf.if %cond3A_99 {
        %get3A_100 = arith.constant 0 : index
        %get3A_101 = arith.constant 0 : index
        %get3A_102 = vector.load %arg10[%get3A_100, %get3A_101] : memref<1024x1xf32, #tpu.memory_space<vmem>>, vector<1024x1xf32>
        %add3A_103 = arith.addf %get3A_102, %sub3A_89 : vector<1024x1xf32>
        %swap3A_104 = arith.constant 0 : index
        %swap3A_105 = arith.constant 0 : index
        %swap3A_106 = vector.load %arg10[%swap3A_104, %swap3A_105] : memref<1024x1xf32, #tpu.memory_space<vmem>>, vector<1024x1xf32>
        tpu.vector_store %arg10[%swap3A_104, %swap3A_105], %add3A_103 {strides = array<i32>} : memref<1024x1xf32, #tpu.memory_space<vmem>>, vector<1024x1xf32>,
        %get3A_107 = arith.constant 0 : index
        %get3A_108 = arith.constant 0 : index
        %get3A_109 = vector.load %arg11[%get3A_107, %get3A_108] : memref<1024x1xf32, #tpu.memory_space<vmem>>, vector<1024x1xf32>
        %add3A_110 = arith.addf %get3A_109, %sub3A_90 : vector<1024x1xf32>
        %swap3A_111 = arith.constant 0 : index
        %swap3A_112 = arith.constant 0 : index
        %swap3A_113 = vector.load %arg11[%swap3A_111, %swap3A_112] : memref<1024x1xf32, #tpu.memory_space<vmem>>, vector<1024x1xf32>
        tpu.vector_store %arg11[%swap3A_111, %swap3A_112], %add3A_110 {strides = array<i32>} : memref<1024x1xf32, #tpu.memory_space<vmem>>, vector<1024x1xf32>,
      } else {
      }
    } else {
    }
    return
  }
  func.func @transform_0(%arg0: i32, %arg1: i32) -> (i32, i32) {
    %c0_i32 = arith.constant 0 : i32
    %c0_i32_0 = arith.constant 0 : i32
    %c0_i32_1 = arith.constant 0 : i32
    return %c0_i32, %c0_i32_0 : i32, i32
  }
  func.func @transform_1(%arg0: i32, %arg1: i32) -> (i32, i32) {
    %c0_i32 = arith.constant 0 : i32
    %c0_i32_0 = arith.constant 0 : i32
    %c0_i32_1 = arith.constant 0 : i32
    return %c0_i32, %c0_i32_0 : i32, i32
  }
  func.func @transform_2(%arg0: i32, %arg1: i32) -> (i32, i32) {
    %c0_i32 = arith.constant 0 : i32
    %c0_i32_0 = arith.constant 0 : i32
    %c0_i32_1 = arith.constant 0 : i32
    return %c0_i32, %c0_i32_0 : i32, i32
  }
  func.func @transform_3(%arg0: i32, %arg1: i32) -> (i32, i32) {
    %mul3A = arith.constant 16 : i32
    %mul3A_0 = arith.muli %arg0, %mul3A : i32
    %add3A = arith.addi %mul3A_0, %arg1 : i32
    %c0_i32 = arith.constant 0 : i32
    %c0_i32_1 = arith.constant 0 : i32
    return %add3A, %c0_i32 : i32, i32
  }
  func.func @transform_4(%arg0: i32, %arg1: i32) -> (i32, i32, i32) {
    %c0_i32 = arith.constant 0 : i32
    %c0_i32_0 = arith.constant 0 : i32
    %c0_i32_1 = arith.constant 0 : i32
    return %arg0, %c0_i32, %c0_i32_0 : i32, i32, i32
  }
  func.func @transform_5(%arg0: i32, %arg1: i32) -> (i32, i32) {
    %c0_i32 = arith.constant 0 : i32
    %c0_i32_0 = arith.constant 0 : i32
    %c0_i32_1 = arith.constant 0 : i32
    return %c0_i32, %c0_i32_0 : i32, i32
  }
  func.func @transform_6(%arg0: i32, %arg1: i32) -> (i32, i32) {
    %c0_i32 = arith.constant 0 : i32
    %c0_i32_0 = arith.constant 0 : i32
    %c0_i32_1 = arith.constant 0 : i32
    return %c0_i32, %c0_i32_0 : i32, i32
  }
  func.func @transform_7(%arg0: i32, %arg1: i32) -> (i32, i32) {
    %c0_i32 = arith.constant 0 : i32
    %c0_i32_0 = arith.constant 0 : i32
    %c0_i32_1 = arith.constant 0 : i32
    return %c0_i32, %c0_i32_0 : i32, i32
  }
  func.func @transform_8(%arg0: i32, %arg1: i32) -> (i32, i32) {
    %c0_i32 = arith.constant 0 : i32
    %c0_i32_0 = arith.constant 0 : i32
    %c0_i32_1 = arith.constant 0 : i32
    return %c0_i32, %c0_i32_0 : i32, i32
  }
  func.func @transform_9(%arg0: i32, %arg1: i32) -> (i32, i32) {
    %c0_i32 = arith.constant 0 : i32
    %c0_i32_0 = arith.constant 0 : i32
    %c0_i32_1 = arith.constant 0 : i32
    return %c0_i32, %c0_i32_0 : i32, i32
  }
}

</mosaic_0001>

<sc_bundles>
// kernel: kernel.5.cloned.1.call-start
scs
__scs_entry_jumppad:
0x0: {  	(pc) =	sbr.rel $0x88, $3  }
0x1: {  	(tag) =	ssettag $0x0;
	lr =	simm.s32 $0x1  }
0x2: {  	[smem:$0x3F9C] =	sst lr;
	_ =	strace $0xD0000000  }
0x3: {  	_ = 	snop  }
0x4: {  	_ = 	snop  }
0x5: {  	_ = 	snop  }
0x6: {  	_ = 	snop  }
0x7: {  	_ = 	snop  }
__scs_overlays_trampoline_lowered:
0x8: {  	[smem:$0x3FAB] =	sst s0  }
0x9: {  	[smem:$0x3FAC] =	sst s1  }
0xa: {  	[smem:$0x3FAD] =	sst s2  }
0xb: {  	[smem:$0x3FAE] =	sst s3  }
0xc: {  	[smem:$0x3FAF] =	sst s4  }
0xd: {  	[smem:$0x3FB0] =	sst s5  }
0xe: {  	[smem:$0x3FB1] =	sst s6  }
0xf: {  	[smem:$0x3FB2] =	sst s7  }
0x10: {  	[smem:$0x3FB3] =	sst s8  }
0x11: {  	[smem:$0x3FB4] =	sst s9;
	s0 =	simm.s32 @!p0 $0x0  }
0x12: {  	s1 =	sld [smem:$0x3F9A];
	s0 =	simm.s32 @p0 $0x1  }
0x13: {  	[smem:$0x3FB5] =	sst s0;
	s0 =	simm.s32 @!p1 $0x0  }
0x14: {  	s2 =	sld [smem:$0x3F99];
	s0 =	simm.s32 @p1 $0x1  }
0x15: {  	[smem:$0x3FB6] =	sst s0;
	s0 =	simm.s32 @!p2 $0x0  }
0x16: {  	s3 =	sld [smem:$0x3FDB];
	s0 =	simm.s32 @p2 $0x1  }
0x17: {  	s4 =	simm.s32 $0x1BF5;
	[smem:$0x3FB8] =	sst s0  }
0x18: {  	s0 =	sld [smem:$0x3F9B];
	_ =	swait.ge [sflag:s4], $0x0  }
0x19: {  	s7 =	sld [smem:$0x3F9C]  }
0x1a: {  	s8 =	sadd.s32 $0xFFFFE003, lr  }
0x1b: {  	s9 =	sadd.s32 $0xFFFFFEF7, lr;
	s5 =	simm.s32 $0xFFFFFFFF;
	p2 =	slt.u32 s8, $0xFFFFF086  }
0x1c: {  	p1 =	slt.u32 s9, $0xF7A;
	s5 =	simm.s32 @!p2 $0x0  }
0x1d: {  	s5 =	simm.s32 @p1 $0x1;
	p0 =	seq.s32 s7, s2  }
0x1e: {  	s7 =	smul.u32 @!p0 $0xF7A, s2;
	p2 =	seq.s32 @!p0 s5, $0x0  }
0x1f: {  	s9 =	smul.u32 $0xF7A, s1;
	s8 =	simm.s32 @!p0 $0x1BF5;
	p2 =	por !p2, p0  }
0x20: {  	[sflag:s8] =	ssyncset.s32 @!p0 $0xFFFFF086;
	s6 =	sadd.s32 @!p0 s3, s7;
	s7 =	simm.s32 @!p0 $0x108  }
0x21: {  	s3 =	sadd.s32 s3, s9;
	s6 =	sadd.s32 @!p0 $0x88, s6;
	s7 =	simm.s32 @p2 $0x1082  }
0x22: {  	[simem:s7], [sflag:s8] =	dma.local @!p0 [hbm:s6], $0xF7A  }
0x23: {  	s9 =	sor.u32 $0xD0000000, s2;
	s6 =	simm.s32 $0x108;
	_ =	swait.ge @!p0 [sflag:s8], $0x0  }
0x24: {  	s3 =	sadd.s32 $0x88, s3;
	s6 =	simm.s32 @!p1 $0x1082;
	[sflag:s4] =	ssyncset.s32 $0xFFFFF086  }
0x25: {  	[simem:s6], [sflag:s4] =	dma.local [hbm:s3], $0xF7A  }
0x26: {  	[smem:$0x3F9C] =	sst s1;
	(tag) =	ssettag s2;
	_ =	strace s9  }
0x27: {  	s1 =	sld [smem:$0x3FAC]  }
0x28: {  	s2 =	sld [smem:$0x3FAD]  }
0x29: {  	s4 =	sld [smem:$0x3FAF]  }
0x2a: {  	p0 =	seq.s32 s5, $0x0;
	s5 =	sld [smem:$0x3FB0]  }
0x2b: {  	s6 =	sld [smem:$0x3FB1]  }
0x2c: {  	s7 =	sld [smem:$0x3FB2]  }
0x2d: {  	s3 =	simm.s32 $0x108;
	s8 =	sld [smem:$0x3FB3]  }
0x2e: {  	s3 =	simm.s32 @!p0 $0x1082;
	s9 =	sld [smem:$0x3FB4]  }
0x2f: {  	lr =	sadd.s32 s0, s3;
	s0 =	sld [smem:$0x3FAB]  }
0x30: {  	s3 =	sld [smem:$0x3FAE]  }
0x31: {  	[smem:$0x3FB7] =	sst s10  }
0x32: {  	s10 =	sld [smem:$0x3FB5];
	_ =	sdelay $0x3  }
0x33: {  	p0 =	seq.s32 s10, $0x1;
	s10 =	sld [smem:$0x3FB7];
	_ =	sdelay $0x3  }
0x34: {  	[smem:$0x3FB7] =	sst s10  }
0x35: {  	s10 =	sld [smem:$0x3FB6];
	_ =	sdelay $0x3  }
0x36: {  	p1 =	seq.s32 s10, $0x1;
	s10 =	sld [smem:$0x3FB7];
	_ =	sdelay $0x3  }
0x37: {  	[smem:$0x3FB7] =	sst s10  }
0x38: {  	s10 =	sld [smem:$0x3FB8]  }
0x39: {  	_ = 	snop;
	(pc) =	sbr.ind lr, $3  }
0x3a: {  	_ = 	snop  }
0x3b: {  	_ = 	snop  }
0x3c: {  	p2 =	seq.s32 s10, $0x1;
	s10 =	sld [smem:$0x3FB7]  }
0x3d: {  	_ =	shalt  }
0x3e: {  	_ =	shalt  }
0x3f: {  	_ =	shalt  }
0x40: {  	_ =	shalt  }
0x41: {  	_ =	shalt  }
0x42: {  	_ =	shalt  }
0x43: {  	_ =	shalt  }
0x44: {  	_ =	shalt  }
0x45: {  	_ =	shalt  }
0x46: {  	_ =	shalt  }
0x47: {  	_ =	shalt  }
0x48: {  	_ =	shalt  }
0x49: {  	_ =	shalt  }
0x4a: {  	_ =	shalt  }
0x4b: {  	_ =	shalt  }
0x4c: {  	_ =	shalt  }
0x4d: {  	_ =	shalt  }
0x4e: {  	_ =	shalt  }
0x4f: {  	_ =	shalt  }
0x50: {  	_ =	shalt  }
0x51: {  	_ =	shalt  }
0x52: {  	_ =	shalt  }
0x53: {  	_ =	shalt  }
0x54: {  	_ =	shalt  }
0x55: {  	_ =	shalt  }
0x56: {  	_ =	shalt  }
0x57: {  	_ =	shalt  }
0x58: {  	_ =	shalt  }
0x59: {  	_ =	shalt  }
0x5a: {  	_ =	shalt  }
0x5b: {  	_ =	shalt  }
0x5c: {  	_ =	shalt  }
0x5d: {  	_ =	shalt  }
0x5e: {  	_ =	shalt  }
0x5f: {  	_ =	shalt  }
0x60: {  	_ =	shalt  }
0x61: {  	_ =	shalt  }
0x62: {  	_ =	shalt  }
0x63: {  	_ =	shalt  }
0x64: {  	_ =	shalt  }
0x65: {  	_ =	shalt  }
0x66: {  	_ =	shalt  }
0x67: {  	_ =	shalt  }
0x68: {  	_ =	shalt  }
0x69: {  	_ =	shalt  }
0x6a: {  	_ =	shalt  }
0x6b: {  	_ =	shalt  }
0x6c: {  	_ =	shalt  }
0x6d: {  	_ =	shalt  }
0x6e: {  	_ =	shalt  }
0x6f: {  	_ =	shalt  }
0x70: {  	_ =	shalt  }
0x71: {  	_ =	shalt  }
0x72: {  	_ =	shalt  }
0x73: {  	_ =	shalt  }
0x74: {  	_ =	shalt  }
0x75: {  	_ =	shalt  }
0x76: {  	_ =	shalt  }
0x77: {  	_ =	shalt  }
0x78: {  	_ =	shalt  }
0x79: {  	_ =	shalt  }
0x7a: {  	_ =	shalt  }
0x7b: {  	_ =	shalt  }
0x7c: {  	_ =	shalt  }
0x7d: {  	_ =	shalt  }
0x7e: {  	_ =	shalt  }
0x7f: {  	_ =	shalt  }
0x80: {  	_ =	shalt  }
0x81: {  	_ =	shalt  }
0x82: {  	_ =	shalt  }
0x83: {  	_ =	shalt  }
0x84: {  	_ =	shalt  }
0x85: {  	_ =	shalt  }
0x86: {  	_ =	shalt  }
0x87: {  	_ =	shalt  }
.Lfunc_end0:
.L_simem_size_0:
called_computation_lowered:
.L_overlay_start_0:
0x88: {  	s2 =	sld [smem:$0x3FD9]  }
0x89: {  	s3 =	sld [smem:$0x3FFE];
	_ =	sdelay $0x1  }
0x8a: {  	s1 =	srdreg.scid  }
0x8b: {  	s0 =	sand.u32 $0x1, s1  }
0x8c: {  	s14 =	sshll.u32 s0, $0xA;
	s2 =	sadd.s32 s3, s2  }
0x8d: {  	s2 =	sadd.s32 s2, s14  }
0x8e: {  	[smem:$0x3FC3] =	sst s2  }
0x8f: {  	_ = 	snop  }
0x90: {  	s2 =	sld [smem:$0x3FD0];
	_ =	sdelay $0x2  }
0x91: {  	s15 =	simm.s32 $0xA;
	s4 =	simm.s32 $0x10  }
0x92: {  	[smem:s4], [sflag:s15] =	dma.local [hbm:s2], $0x1  }
0x93: {  	_ =	swait.eq [sflag:s15], $0x1  }
0x94: {  	[sflag:s15] =	ssyncset.done $0x0  }
0x95: {  	[sflag:s15] =	ssyncadd.s32 $0xFFFFFFFF  }
0x96: {  	s16 =	sld [smem:$0x12];
	(tm) =	ssettm $0x1  }
0x97: {  	s17 =	sld [smem:$0x3FFB];
	_ =	sdelay $0x3  }
0x98: {  	_ =	strace s17  }
0x99: {  	s3 =	sld [smem:$0x3FFC];
	_ =	sdelay $0x3  }
0x9a: {  	_ =	strace s3  }
0x9b: {  	s3 =	sld [smem:$0x3FFD];
	_ =	sdelay $0x3  }
0x9c: {  	_ =	strace s3  }
0x9d: {  	_ =	strace $0x8FFFFFFF  }
0x9e: {  	s18 =	sld [smem:$0x3FDB];
	_ =	sdelay $0x1  }
0x9f: {  	s19 =	simm.s32 $_scs_section_size  }
0xa0: {  	s5 =	simm.s32 $_size__tile_overlayer_lowered;
	s6 =	simm.s32 $_tile_overlayer_lowered  }
0xa1: {  	s22 =	simm.s32 $0x1BFF;
	s21 =	sshll.u32 s6, $0x1;
	s3 =	sadd.s32 s19, s18  }
0xa2: {  	s7 =	simm.s32 $0x0;
	s20 =	sshll.u32 s5, $0x1;
	s5 =	sadd.s32 s21, s3  }
0xa3: {  	[timem:s7], [sflag:s22] =	dma.local [hbm:s5], s20  }
0xa4: {  	_ =	swait.ge [sflag:s22], s20  }
0xa5: {  	s4 =	ssub.s32 $0x0, s20;
	[sflag:s22] =	ssyncset.done $0x0  }
0xa6: {  	[sflag:s22] =	ssyncadd.s32 s4;
	_ =	sdelay $0x1  }
0xa7: {  	s23 =	simm.s32 $0x1B8B  }
0xa8: {  	_ =	swait.ge [sflag:s23], $0x1  }
0xa9: {  	[sflag:s23] =	ssyncset.done $0x0  }
0xaa: {  	s25 =	simm.s32 $0x1B8E;
	s24 =	sld [smem:$0x3FFE];
	[sflag:s23] =	ssyncadd.s32 $0xFFFFFFFF  }
0xab: {  	s26 =	simm.s32 $execute0_lowered;
	[smem:$0x3FD2] =	sst s25  }
0xac: {  	s5 =	sshll.u32 s26, $0x1;
	_ =	strace $0x80000046;
	[dreg:$0x1] =	wrdreg $0xFFFFFFFF  }
0xad: {  	s28 =	simm.s32 $_size_execute0_lowered;
	s3 =	sadd.s32 s3, s5;
	[dreg:$0x0] =	wrdreg $0x0  }
0xae: {  	s5 =	sshll.u32 s28, $0x1;
	[dreg:$0x2] =	wrdreg s3  }
0xaf: {  	[dreg:$0x3] =	wrdreg s5  }
0xb0: {  	[dreg:$0x4] =	wrdreg $0xC0  }
0xb1: {  	_ =	task [dreg:s7], $0x5FFFF  }
0xb2: {  	[dreg:$0x1] =	wrdreg $0xFFFFFFFF  }
0xb3: {  	[dreg:$0x0] =	wrdreg $0x60  }
0xb4: {  	[dreg:$0x2] =	wrdreg s24  }
0xb5: {  	[dreg:$0x3] =	wrdreg s16  }
0xb6: {  	[dreg:$0x4] =	wrdreg $0x9  }
0xb7: {  	_ =	task.clear_ibuf [dreg:s7], $0x5FFFF;
	_ =	strace $0x90000046  }
0xb8: {  	s29 =	simm.s32 $0x9;
	_ =	strace $0x80000048  }
0xb9: {  	_ =	swait.ge [sflag:s29], $0x1  }
0xba: {  	[sflag:s29] =	ssyncadd.s32 $0xFFFFFFFF  }
0xbb: {  	_ =	strace $0x90000048  }
0xbc: {  	_ =	sfence  }
0xbd: {  	s30 =	sld [smem:$0x0];
	_ =	sdelay $0x2  }
0xbe: {  	s31 =	sshll.u32 s1, $0xD;
	s1 =	sshrl.u32 s1, $0x2  }
0xbf: {  	s3 =	sand.u32 $0x4000, s31;
	s1 =	sadd.s32 s1, s30  }
0xc0: {  	s0 =	sor.u32 s3, s0;
	s1 =	sshll.u32 s1, $0x11  }
0xc1: {  	s0 =	sor.u32 s1, s0  }
0xc2: {  	s0 =	sadd.s32 $0x8F2B, s0  }
0xc3: {  	[sflag:s0] =	ssyncadd.remote.s32 $0x1  }
0xc4: {  	_ =	sfence.sel $0xFFFF  }
0xc5: {  	[dreg:$0x0] =	wrdreg $0xFFFFFFFF;
	(pc) =	sbr.abs _section_cstart, $3  }
0xc6: {  	[dreg:$0x1] =	wrdreg $0xFFFFFFFF  }
0xc7: {  	_ =	task.clear_ibuf [dreg:s7], $0x2FFFF;
	_ =	strace $0x9FFFFFFF  }
0xc8: {  	(tm) =	ssettm $0x7FFFFFFF  }
0xc9: {  	_ =	shalt  }
tec
execute0_lowered:
.L_overlay_start_1:
0x0: {  	(tag) =	ssettag $0x1  }
0x1: {  	s1 =	srdreg.scid;
	s2 =	rddreg [dreg:$0x0]  }
0x2: {  	s0 =	stileid.u32;
	s4 =	rddreg [dreg:$0x1];
	s6 =	sand.u32 $0x1, s1  }
0x3: {  	s3 =	simm.s32 $0x0;
	s5 =	sshll.u32 s0, $0x8;
	s7 =	sshll.u32 s6, $0x7  }
0x4: {  	[smem:$0x7FF] =	sst s3;
	s8 =	sor.u32 s7, s5  }
0x5: {  	s1 =	rddreg [dreg:$0x2];
	_ =	strace $0x80000047;
	s5 =	sshrl.u32 s8, $0x3  }
0x6: {  	s9 =	ssub.s32 $0x2, s6;
	s5 =	sadd.s32 s4, s5;
	s4 =	simm.s32 $0x2  }
0x7: {  	[tilespmem:s3], [sflag:$0x2] =	stream.linear.gather [hbm4b:s5+s3], $0x80, $0x38;
	[tilespmem:$0x1080] =	vst v63  }
0x8: {  	s10 =	sshrl.u32 s9, $0x1;
	_ =	swait.ge [sflag:s4], $0x80  }
0x9: {  	s6 =	simm.s32 $0x80;
	s9 =	ssub.s32 s9, s10;
	[sflag:s4] =	ssyncset.done $0x0  }
0xa: {  	s7 =	simm.s32 $0x1;
	s9 =	smax.u32 s9, $0x1;
	[sflag:s4] =	ssyncadd.s32 $0xFFFFFF80  }
0xb: {  	[tilespmem:s6], [sflag:$0x1] =	stream.indirect.gather [hbm4b:s2+s6], $0x20, s3, s6, $0xb8;
	[tilespmem:$0x1080] =	vst v63  }
0xc: {  	s8 =	sshll.u32 s8, $0x2;
	p0 =	sne.s32 s9, $0x1;
	_ =	swait.ge [sflag:s7], $0x1000  }
.Ltmp0:
0xd: {  	s8 =	sadd.s32 s8, s2;
	[sflag:s7] =	ssyncset.done $0x0;
	(pc) =	sbr.rel @!p0 .LBB2_2-.Ltmp0, $4  }
0xe: {  	s8 =	sadd.s32 $0x10000, s8;
	[sflag:s7] =	ssyncadd.s32 $0xFFFFF000  }
0xf: {  	[hbm4b:s8+s3] =	stream.linear.scatter [tilespmem:s6], [sflag:$0x2], $0x1000, $0x38;
	[tilespmem:$0x1080] =	vst v63  }
0x10: {  	_ =	swait.ge [sflag:s4], $0x1000  }
0x11: {  	s9 =	sadd.s32 $0xFFFFFFFF, s9;
	[sflag:s4] =	ssyncset.done $0x0  }
.LBB2_1:
0x12: {  	p0 =	sne.s32 s9, $0x1;
	s9 =	sadd.s32 $0xFFFFFFFF, s9;
	[sflag:s4] =	ssyncadd.s32 $0xFFFFF000  }
0x13: {  	[tilespmem:s3], [sflag:$0x2] =	stream.linear.gather [hbm4b:s5+s3], $0x80, $0x38;
	[tilespmem:$0x1080] =	vst v63  }
0x14: {  	_ =	swait.ge [sflag:s4], $0x80  }
0x15: {  	[sflag:s4] =	ssyncset.done $0x0  }
0x16: {  	[sflag:s4] =	ssyncadd.s32 $0xFFFFFF80  }
0x17: {  	[tilespmem:s6], [sflag:$0x1] =	stream.indirect.gather [hbm4b:s2+s6], $0x20, s3, s6, $0xb8;
	[tilespmem:$0x1080] =	vst v63  }
0x18: {  	_ =	swait.ge [sflag:s7], $0x1000  }
.Ltmp1:
0x19: {  	[sflag:s7] =	ssyncset.done $0x0;
	(pc) =	sbr.rel @p0 .LBB2_1-.Ltmp1, $4  }
0x1a: {  	[sflag:s7] =	ssyncadd.s32 $0xFFFFF000  }
0x1b: {  	[hbm4b:s8+s3] =	stream.linear.scatter [tilespmem:s6], [sflag:$0x2], $0x1000, $0x38;
	[tilespmem:$0x1080] =	vst v63  }
0x1c: {  	_ =	swait.ge [sflag:s4], $0x1000  }
0x1d: {  	[sflag:s4] =	ssyncset.done $0x0  }
.LBB2_2:
0x1e: {  	[sflag:s4] =	ssyncadd.s32 $0xFFFFF000  }
0x1f: {  	_ =	sfence.sel $0x180000  }
0x20: {  	[bflag:$0x0] =	sbarrier.arrive $0xFFFF  }
0x21: {  	p0 =	sne.s32 s0, $0x0;
	_ =	strace $0x90000047  }
0x22: {  	s0 =	sadd.s32 @!p0 $0x100000, s1;
	[bflag:$0x2] =	sbarrier.arrive $0xFFFF  }
0x23: {  	[sflag:s0] =	ssyncadd.tile.s32 @!p0 $0x1;
	_ =	shalt  }
.Lfunc_end2:
_tile_overlayer_lowered:
.L_overlay_start_2:
0x24: {  	(tag) =	ssettag $0x2  }
0x25: {  	s0 =	rddreg [dreg:$0x0];
	s2 =	stileid.u32  }
0x26: {  	s1 =	rddreg [dreg:$0x1];
	p0 =	sne.s32 s2, $0x0  }
0x27: {  	s3 =	rddreg [dreg:$0x2];
	[bflag:$0x3] =	sbarrier.arrive $0xFFFF;
	s2 =	simm.s32 @!p0 $0x1C02  }
0x28: {  	[timem:s3], [sflag:s2] =	dma.local @!p0 [hbm:s0], s1  }
0x29: {  	s0 =	simm.s32 @!p0 $0x2  }
0x2a: {  	_ =	swait.ge @!p0 [sflag:s0], s1  }
0x2b: {  	s1 =	ssub.s32 @!p0 $0x0, s1;
	[sflag:s0] =	ssyncset.done @!p0 $0x0  }
0x2c: {  	[sflag:s0] =	ssyncadd.s32 @!p0 s1  }
0x2d: {  	[bflag:$0x3] =	sbarrier.arrive $0xFFFF  }
0x2e: {  	_ =	shalt  }

</sc_bundles>
